<compile_context>
chip_gen: v7x
topology: tpu7x:2x2x1
jax: 0.10.2.dev20260603
libtpu: 0.0.44.dev20260713+nightly
codegen_flags: <defaults>
</compile_context>

<pallas_src>
import functools

import jax
import jax.numpy as jnp
from jax import lax
from jax.experimental import pallas as pl
from jax.experimental.pallas import tpu as pltpu
from jax.experimental.pallas import tpu_sc as plsc

_VOCAB = 100000
_EMB = 64
_NEG = 200
_EPS = 1e-15
_NSUB = 16
_R = 16
_LAST_BASE = _NEG - _R
_BLK = 4096
_VPAD = 25 * _BLK
_LN2 = 0.6931471805599453
_SQRT2 = 1.4142135623730951


def _tc_matvec(x_arr, sig_t):
    def body(x_ref, sig_hbm, blk_ref, v_ref, tcol_v, tslab_v, sem):
        i = pl.program_id(0)

        @pl.when(i == 0)
        def _():
            xs = x_ref[0]
            base = pl.multiple_of((xs // 128) * 128, 128)
            pltpu.async_copy(
                sig_hbm.at[:, pl.ds(base, 128)], tslab_v, sem).wait()
            lane = lax.broadcasted_iota(jnp.int32, (_EMB, 128), 1)
            onehot = (lane == xs % 128).astype(jnp.float32)
            tcol_v[...] = jnp.sum(tslab_v[...] * onehot, axis=1, keepdims=True)

        t = tcol_v[...]
        v_ref[...] = jnp.sum(blk_ref[...] * t, axis=0)

    return pl.pallas_call(
        body,
        grid=(_VPAD // _BLK,),
        out_shape=jax.ShapeDtypeStruct((_VPAD,), jnp.float32),
        in_specs=[
            pl.BlockSpec(memory_space=pltpu.SMEM),
            pl.BlockSpec(memory_space=pl.ANY),
            pl.BlockSpec((_EMB, _BLK), lambda i: (0, i)),
        ],
        out_specs=pl.BlockSpec((_BLK,), lambda i: (i,)),
        scratch_shapes=[
            pltpu.VMEM((_EMB, 1), jnp.float32),
            pltpu.VMEM((_EMB, 128), jnp.float32),
            pltpu.SemaphoreType.DMA,
        ],
    )(x_arr, sig_t, sig_t)


def _neg_log(a):
    bits = plsc.bitcast(a, jnp.int32)
    e = (bits >> 23) - 127
    m = plsc.bitcast((bits & 0x7FFFFF) | 0x3F800000, jnp.float32)
    big = m > _SQRT2
    m = jnp.where(big, m * 0.5, m)
    e = jnp.where(big, e + 1, e)
    z = (m - 1.0) / (m + 1.0)
    z2 = z * z
    p = 1.0 + z2 * (1.0 / 3.0 + z2 * (1.0 / 5.0 + z2 * (1.0 / 7.0 + z2 * (1.0 / 9.0))))
    return -(e.astype(jnp.float32) * _LN2 + 2.0 * z * p)


def _sc_loss(v, nuf, neg_rand):
    mesh = plsc.VectorSubcoreMesh(core_axis_name="c", subcore_axis_name="s")

    @functools.partial(
        pl.kernel,
        out_type=jax.ShapeDtypeStruct((16,), jnp.float32),
        mesh=mesh,
        compiler_params=pltpu.CompilerParams(
            needs_layout_passes=False, use_tc_tiling_on_sc=False),
        scratch_types=[
            pltpu.VMEM((_R,), jnp.int32),
            pltpu.VMEM((_R,), jnp.int32),
            pltpu.VMEM((_R,), jnp.float32),
            pltpu.VMEM((16,), jnp.float32),
            pltpu.VMEM((_NSUB * 16,), jnp.float32),
            pltpu.VMEM((16,), jnp.float32),
            pltpu.VMEM_SHARED((_NSUB * 16,), jnp.float32),
            pltpu.SemaphoreType.DMA,
        ],
    )
    def k(v_hbm, nuf_hbm, nr_hbm, out_hbm,
          myidx_v, ctx_v, o_v, ybuf, red_v, outv, shared, sem):
        c = lax.axis_index("c")
        s = lax.axis_index("s")

        @pl.when(c == 0)
        def _():
            base = pl.multiple_of(jnp.minimum(s * _R, _LAST_BASE), 8)
            pltpu.sync_copy(nr_hbm.at[pl.ds(base, _R)], myidx_v)
            pltpu.async_copy(nuf_hbm.at[myidx_v], ctx_v, sem).wait()
            pltpu.async_copy(v_hbm.at[ctx_v], o_v, sem).wait()

            iota = lax.iota(jnp.int32, 16)
            o = o_v[...]
            a = 1.0 - 1.0 / (1.0 + jnp.exp(-o)) + _EPS
            y = _neg_log(a)
            glob = base + iota
            owned = (glob >= s * _R) & (glob < _NEG)
            y = jnp.where(owned, y, 0.0)
            ybuf[...] = y
            pltpu.sync_copy(ybuf, shared.at[pl.ds(s * 16, 16)])
            plsc.subcore_barrier()

            @pl.when(s == 0)
            def _():
                pltpu.sync_copy(shared, red_v)
                tot = jnp.zeros((16,), jnp.float32)
                for i in range(_NSUB):
                    tot = tot + red_v[pl.ds(i * 16, 16)]
                loss = jnp.sum(tot) * (1.0 / _NEG)
                outv[...] = jnp.full((16,), loss, jnp.float32)
                pltpu.sync_copy(outv, out_hbm)

    return k(v, nuf, neg_rand)


def kernel(x, signatures, negative_unit_filter, neg_rand):
    x_arr = jnp.asarray(x, jnp.int32).reshape((1,))
    nuf = jnp.asarray(negative_unit_filter, jnp.int32)
    nr = jnp.asarray(neg_rand, jnp.int32)
    v = _tc_matvec(x_arr, signatures.T)
    out = _sc_loss(v, nuf, nr)
    return (jnp.asarray(x), out[0])

# --- scband reference (transcript-rebuilt; emitter-appended) ---
"""Pipeline reference for scband-koha-input-layer-12601434046884 (READ-ONLY COPY).

The authoritative reference and input builder live on the scoring server;
editing this copy changes nothing except your own understanding.
"""

import jax, jax.numpy as jnp
import numpy as np

VOCAB = 100000
EMB = 64
NEG = 200
SCALE = 10
EPS = 1e-15


def setup_inputs(seed: int = 0) -> dict:
    key = jax.random.key(seed)
    k1, k2, k3 = jax.random.split(key, 3)
    # forward arg: a single token id (scalar int)
    x = 12345
    # kaiming_uniform_(a=sqrt(5)) on [vocab, emb] -> bound = sqrt(6/((1+a^2)*fan_in)) = 1/sqrt(fan_in)
    bound = 1.0 / np.sqrt(EMB)
    signatures = jax.random.uniform(k1, (VOCAB, EMB), minval=-bound, maxval=bound, dtype=jnp.float32)
    # registered buffer: negative unit filter of size vocab * unit_filter_scale
    negative_unit_filter = jax.random.randint(k2, (VOCAB * SCALE,), 0, VOCAB)
    # the torch forward draws rand indices internally; we materialize them deterministically
    neg_rand = jax.random.randint(k3, (NEG,), 0, VOCAB * SCALE)
    return {"x": x, "signatures": signatures, "negative_unit_filter": negative_unit_filter, "neg_rand": neg_rand}


def reference(x, signatures, negative_unit_filter, neg_rand):
    # _get_negative_samples
    target = jnp.full((NEG,), x, dtype=jnp.int32)
    context = negative_unit_filter[neg_rand]
    # embedding lookups
    contex_emb = jnp.take(signatures, context, axis=0)
    target_emb = jnp.take(signatures, target, axis=0)
    out = (contex_emb * target_emb).sum(axis=-1).reshape(-1)
    negative_loss = -jnp.log(1.0 - jax.nn.sigmoid(out) + EPS).mean()
    # positive loss is 0 on the first call (previous_winners is empty)
    loss = negative_loss
    return (jnp.asarray(x), loss)

if __name__ == "__main__":
    import jax
    _d = setup_inputs()
    print(jax.jit(kernel)(*tuple(_d.values())))

</pallas_src>

<mosaic_0001>
#map = affine_map<(d0, d1) -> (0)>
module attributes {stable_mosaic.version = 14 : i64} {
  func.func @k(%arg0: i32, %arg1: i32, %arg2: memref<102400xf32, #tpu.memory_space<hbm>>, %arg3: memref<1000000xi32, #tpu.memory_space<hbm>>, %arg4: memref<200xi32, #tpu.memory_space<hbm>>, %arg5: memref<16xf32, #tpu.memory_space<hbm>>, %arg6: memref<16xi32, #tpu.memory_space<vmem>>, %arg7: memref<16xi32, #tpu.memory_space<vmem>>, %arg8: memref<16xf32, #tpu.memory_space<vmem>>, %arg9: memref<16xf32, #tpu.memory_space<vmem>>, %arg10: memref<256xf32, #tpu.memory_space<vmem>>, %arg11: memref<16xf32, #tpu.memory_space<vmem>>, %arg12: memref<256xf32, #tpu.memory_space<vmem_shared>>, %arg13: memref<!tpu.dma_semaphore, #tpu.memory_space<semaphore_mem>>) attributes {dimension_semantics = [#tpu.dimension_semantics<core_parallel>, #tpu.dimension_semantics<subcore_parallel>], iteration_bounds = array<i64: 2, 16>, scalar_prefetch = 0 : i64, scratch_operands = 8 : i64, tpu.core_type = #tpu.core_type<sc_vector_subcore>, window_params = [{transform_indices = #map}, {transform_indices = #map}, {transform_indices = #map}, {transform_indices = #map}]} {
    %eq3A = arith.constant 0 : i32
    %eq3A_0 = arith.cmpi eq, %arg0, %eq3A : i32
    %convert_element_type3A = arith.extui %eq3A_0 : i1 to i32
    %cond3A = arith.constant 0 : i32
    %cond3A_1 = arith.cmpi ne, %convert_element_type3A, %cond3A : i32
    scf.if %cond3A_1 {
      %mul3A = arith.constant 16 : i32
      %mul3A_2 = arith.muli %arg1, %mul3A : i32
      %min3A = arith.constant 184 : i32
      %min3A_3 = arith.minsi %mul3A_2, %min3A : i32
      %multiple_of3A = tpu.assume_multiple %min3A_3, 8 : i32
      "tpu.region"() ({
        %run_scoped3A = tpu.sem_alloc : memref<!tpu.dma_semaphore, #tpu.memory_space<semaphore_mem>>
        %dma_start3A_96 = tpu.memref_slice %arg4[%multiple_of3A] : memref<200xi32, #tpu.memory_space<hbm>> -> memref<16xi32, #tpu.memory_space<hbm>>
        %dma_start3A_97 = tpu.memref_slice %arg4[%multiple_of3A] : memref<200xi32, #tpu.memory_space<hbm>> -> memref<16xi32, #tpu.memory_space<hbm>>
        tpu.enqueue_dma source(%dma_start3A_97 : memref<16xi32, #tpu.memory_space<hbm>>) target(%arg6 : memref<16xi32, #tpu.memory_space<vmem>>) target_semaphore(%run_scoped3A : memref<!tpu.dma_semaphore, #tpu.memory_space<semaphore_mem>>)
        %dma_wait3A_98 = tpu.memref_slice %arg4[%multiple_of3A] : memref<200xi32, #tpu.memory_space<hbm>> -> memref<16xi32, #tpu.memory_space<hbm>>
        %dma_wait3A_99 = tpu.memref_slice %arg4[%multiple_of3A] : memref<200xi32, #tpu.memory_space<hbm>> -> memref<16xi32, #tpu.memory_space<hbm>>
        tpu.wait_dma2 semaphore(%run_scoped3A : memref<!tpu.dma_semaphore, #tpu.memory_space<semaphore_mem>>) src(%dma_wait3A_99 : memref<16xi32, #tpu.memory_space<hbm>>) dst(%arg6 : memref<16xi32, #tpu.memory_space<vmem>>)
        tpu.yield
      }) : () -> ()
      %dma_start3A = arith.constant 0 : i32
      %dma_start3A_4 = tpu.memref_slice %arg3[%dma_start3A] : memref<1000000xi32, #tpu.memory_space<hbm>> -> memref<1000000xi32, #tpu.memory_space<hbm>>
      tpu.enqueue_indirect_dma source(%dma_start3A_4 : memref<1000000xi32, #tpu.memory_space<hbm>>) target(%arg7 : memref<16xi32, #tpu.memory_space<vmem>>) offsets(%arg6 : memref<16xi32, #tpu.memory_space<vmem>>) semaphore(%arg13 : memref<!tpu.dma_semaphore, #tpu.memory_space<semaphore_mem>>)
      %dma_wait3A = arith.constant 0 : i32
      %dma_wait3A_5 = tpu.memref_slice %arg3[%dma_wait3A] : memref<1000000xi32, #tpu.memory_space<hbm>> -> memref<1000000xi32, #tpu.memory_space<hbm>>
      tpu.wait_indirect_dma semaphore(%arg13 : memref<!tpu.dma_semaphore, #tpu.memory_space<semaphore_mem>>) src(%dma_wait3A_5 : memref<1000000xi32, #tpu.memory_space<hbm>>) dst(%arg7 : memref<16xi32, #tpu.memory_space<vmem>>)
      %dma_start3A_6 = arith.constant 0 : i32
      %dma_start3A_7 = tpu.memref_slice %arg2[%dma_start3A_6] : memref<102400xf32, #tpu.memory_space<hbm>> -> memref<102400xf32, #tpu.memory_space<hbm>>
      tpu.enqueue_indirect_dma source(%dma_start3A_7 : memref<102400xf32, #tpu.memory_space<hbm>>) target(%arg8 : memref<16xf32, #tpu.memory_space<vmem>>) offsets(%arg7 : memref<16xi32, #tpu.memory_space<vmem>>) semaphore(%arg13 : memref<!tpu.dma_semaphore, #tpu.memory_space<semaphore_mem>>)
      %dma_wait3A_8 = arith.constant 0 : i32
      %dma_wait3A_9 = tpu.memref_slice %arg2[%dma_wait3A_8] : memref<102400xf32, #tpu.memory_space<hbm>> -> memref<102400xf32, #tpu.memory_space<hbm>>
      tpu.wait_indirect_dma semaphore(%arg13 : memref<!tpu.dma_semaphore, #tpu.memory_space<semaphore_mem>>) src(%dma_wait3A_9 : memref<102400xf32, #tpu.memory_space<hbm>>) dst(%arg8 : memref<16xf32, #tpu.memory_space<vmem>>)
      %iota3A = tpu.iota {dimensions = array<i32: 0>} : vector<16xi32>
      %get3A = arith.constant 0 : index
      %get3A_10 = tpu.vector_load %arg8[%get3A] {strides = array<i32>} : memref<16xf32, #tpu.memory_space<vmem>>, vector<16xf32>,
      %neg3A = arith.constant 0.000000e+00 : f32
      %neg3A_11 = vector.broadcast %neg3A : f32 to vector<16xf32>
      %neg3A_12 = arith.subf %neg3A_11, %get3A_10 : vector<16xf32>
      %exp3A = math.exp %neg3A_12 : vector<16xf32>
      %add3A = arith.constant 1.000000e+00 : f32
      %add3A_13 = vector.broadcast %add3A : f32 to vector<16xf32>
      %add3A_14 = arith.addf %add3A_13, %exp3A : vector<16xf32>
      %div3A = arith.constant 1.000000e+00 : f32
      %div3A_15 = vector.broadcast %div3A : f32 to vector<16xf32>
      %div3A_16 = arith.divf %div3A_15, %add3A_14 : vector<16xf32>
      %sub3A = arith.constant 1.000000e+00 : f32
      %sub3A_17 = vector.broadcast %sub3A : f32 to vector<16xf32>
      %sub3A_18 = arith.subf %sub3A_17, %div3A_16 : vector<16xf32>
      %add3A_19 = arith.constant 1.000000e-15 : f32
      %add3A_20 = vector.broadcast %add3A_19 : f32 to vector<16xf32>
      %add3A_21 = arith.addf %sub3A_18, %add3A_20 : vector<16xf32>
      %bitcast3A = vector.bitcast %add3A_21 : vector<16xf32> to vector<16xi32>
      %shift_right_arithmetic3A = arith.constant 23 : i32
      %shift_right_arithmetic3A_22 = vector.broadcast %shift_right_arithmetic3A : i32 to vector<16xi32>
      %shift_right_arithmetic3A_23 = arith.shrsi %bitcast3A, %shift_right_arithmetic3A_22 : vector<16xi32>
      %sub3A_24 = arith.constant 127 : i32
      %sub3A_25 = vector.broadcast %sub3A_24 : i32 to vector<16xi32>
      %sub3A_26 = arith.subi %shift_right_arithmetic3A_23, %sub3A_25 : vector<16xi32>
      %and3A = arith.constant 8388607 : i32
      %and3A_27 = vector.broadcast %and3A : i32 to vector<16xi32>
      %and3A_28 = arith.andi %bitcast3A, %and3A_27 : vector<16xi32>
      %or3A = arith.constant 1065353216 : i32
      %or3A_29 = vector.broadcast %or3A : i32 to vector<16xi32>
      %or3A_30 = arith.ori %and3A_28, %or3A_29 : vector<16xi32>
      %bitcast3A_31 = vector.bitcast %or3A_30 : vector<16xi32> to vector<16xf32>
      %gt3A = arith.constant 1.41421354 : f32
      %gt3A_32 = vector.broadcast %gt3A : f32 to vector<16xf32>
      %gt3A_33 = arith.cmpf ogt, %bitcast3A_31, %gt3A_32 : vector<16xf32>
      %mul3A_34 = arith.constant 5.000000e-01 : f32
      %mul3A_35 = vector.broadcast %mul3A_34 : f32 to vector<16xf32>
      %mul3A_36 = arith.mulf %bitcast3A_31, %mul3A_35 : vector<16xf32>
      %select_n3A = arith.select %gt3A_33, %mul3A_36, %bitcast3A_31 : vector<16xi1>, vector<16xf32>
      %add3A_37 = arith.constant 1 : i32
      %add3A_38 = vector.broadcast %add3A_37 : i32 to vector<16xi32>
      %add3A_39 = arith.addi %sub3A_26, %add3A_38 : vector<16xi32>
      %select_n3A_40 = arith.select %gt3A_33, %add3A_39, %sub3A_26 : vector<16xi1>, vector<16xi32>
      %sub3A_41 = arith.constant 1.000000e+00 : f32
      %sub3A_42 = vector.broadcast %sub3A_41 : f32 to vector<16xf32>
      %sub3A_43 = arith.subf %select_n3A, %sub3A_42 : vector<16xf32>
      %add3A_44 = arith.constant 1.000000e+00 : f32
      %add3A_45 = vector.broadcast %add3A_44 : f32 to vector<16xf32>
      %add3A_46 = arith.addf %select_n3A, %add3A_45 : vector<16xf32>
      %div3A_47 = arith.divf %sub3A_43, %add3A_46 : vector<16xf32>
      %mul3A_48 = arith.mulf %div3A_47, %div3A_47 : vector<16xf32>
      %mul3A_49 = arith.constant 0.111111112 : f32
      %mul3A_50 = vector.broadcast %mul3A_49 : f32 to vector<16xf32>
      %mul3A_51 = arith.mulf %mul3A_48, %mul3A_50 : vector<16xf32>
      %add3A_52 = arith.constant 0.142857149 : f32
      %add3A_53 = vector.broadcast %add3A_52 : f32 to vector<16xf32>
      %add3A_54 = arith.addf %add3A_53, %mul3A_51 : vector<16xf32>
      %mul3A_55 = arith.mulf %mul3A_48, %add3A_54 : vector<16xf32>
      %add3A_56 = arith.constant 2.000000e-01 : f32
      %add3A_57 = vector.broadcast %add3A_56 : f32 to vector<16xf32>
      %add3A_58 = arith.addf %add3A_57, %mul3A_55 : vector<16xf32>
      %mul3A_59 = arith.mulf %mul3A_48, %add3A_58 : vector<16xf32>
      %add3A_60 = arith.constant 0.333333343 : f32
      %add3A_61 = vector.broadcast %add3A_60 : f32 to vector<16xf32>
      %add3A_62 = arith.addf %add3A_61, %mul3A_59 : vector<16xf32>
      %mul3A_63 = arith.mulf %mul3A_48, %add3A_62 : vector<16xf32>
      %add3A_64 = arith.constant 1.000000e+00 : f32
      %add3A_65 = vector.broadcast %add3A_64 : f32 to vector<16xf32>
      %add3A_66 = arith.addf %add3A_65, %mul3A_63 : vector<16xf32>
      %convert_element_type3A_67 = arith.sitofp %select_n3A_40 : vector<16xi32> to vector<16xf32>
      %mul3A_68 = arith.constant 0.693147182 : f32
      %mul3A_69 = vector.broadcast %mul3A_68 : f32 to vector<16xf32>
      %mul3A_70 = arith.mulf %convert_element_type3A_67, %mul3A_69 : vector<16xf32>
      %mul3A_71 = arith.constant 2.000000e+00 : f32
      %mul3A_72 = vector.broadcast %mul3A_71 : f32 to vector<16xf32>
      %mul3A_73 = arith.mulf %mul3A_72, %div3A_47 : vector<16xf32>
      %mul3A_74 = arith.mulf %mul3A_73, %add3A_66 : vector<16xf32>
      %add3A_75 = arith.addf %mul3A_70, %mul3A_74 : vector<16xf32>
      %neg3A_76 = arith.constant 0.000000e+00 : f32
      %neg3A_77 = vector.broadcast %neg3A_76 : f32 to vector<16xf32>
      %neg3A_78 = arith.subf %neg3A_77, %add3A_75 : vector<16xf32>
      %add3A_79 = vector.broadcast %multiple_of3A : i32 to vector<16xi32>
      %add3A_80 = arith.addi %add3A_79, %iota3A : vector<16xi32>
      %mul3A_81 = arith.constant 16 : i32
      %mul3A_82 = arith.muli %arg1, %mul3A_81 : i32
      %ge3A = vector.broadcast %mul3A_82 : i32 to vector<16xi32>
      %ge3A_83 = arith.cmpi sge, %add3A_80, %ge3A : vector<16xi32>
      %lt3A = arith.constant 200 : i32
      %lt3A_84 = vector.broadcast %lt3A : i32 to vector<16xi32>
      %lt3A_85 = arith.cmpi slt, %add3A_80, %lt3A_84 : vector<16xi32>
      %and3A_86 = arith.andi %ge3A_83, %lt3A_85 : vector<16xi1>
      %jit3A = arith.constant 0.000000e+00 : f32
      %broadcast_in_dim3A = vector.broadcast %jit3A : f32 to vector<16xf32>
      %select_n3A_87 = arith.select %and3A_86, %neg3A_78, %broadcast_in_dim3A : vector<16xi1>, vector<16xf32>
      %swap3A = arith.constant 0 : index
      %swap3A_88 = tpu.vector_load %arg9[%swap3A] {strides = array<i32>} : memref<16xf32, #tpu.memory_space<vmem>>, vector<16xf32>,
      tpu.vector_store %arg9[%swap3A], %select_n3A_87 {strides = array<i32>} : memref<16xf32, #tpu.memory_space<vmem>>, vector<16xf32>,
      %mul3A_89 = arith.constant 16 : i32
      %mul3A_90 = arith.muli %arg1, %mul3A_89 : i32
      "tpu.region"() ({
        %run_scoped3A = tpu.sem_alloc : memref<!tpu.dma_semaphore, #tpu.memory_space<semaphore_mem>>
        %dma_start3A_96 = tpu.memref_slice %arg12[%mul3A_90] : memref<256xf32, #tpu.memory_space<vmem_shared>> -> memref<16xf32, #tpu.memory_space<vmem_shared>>
        %dma_start3A_97 = tpu.memref_slice %arg12[%mul3A_90] : memref<256xf32, #tpu.memory_space<vmem_shared>> -> memref<16xf32, #tpu.memory_space<vmem_shared>>
        tpu.enqueue_dma source(%arg9 : memref<16xf32, #tpu.memory_space<vmem>>) target(%dma_start3A_97 : memref<16xf32, #tpu.memory_space<vmem_shared>>) target_semaphore(%run_scoped3A : memref<!tpu.dma_semaphore, #tpu.memory_space<semaphore_mem>>)
        %dma_wait3A_98 = tpu.memref_slice %arg12[%mul3A_90] : memref<256xf32, #tpu.memory_space<vmem_shared>> -> memref<16xf32, #tpu.memory_space<vmem_shared>>
        %dma_wait3A_99 = tpu.memref_slice %arg12[%mul3A_90] : memref<256xf32, #tpu.memory_space<vmem_shared>> -> memref<16xf32, #tpu.memory_space<vmem_shared>>
        tpu.wait_dma2 semaphore(%run_scoped3A : memref<!tpu.dma_semaphore, #tpu.memory_space<semaphore_mem>>) src(%arg9 : memref<16xf32, #tpu.memory_space<vmem>>) dst(%dma_wait3A_99 : memref<16xf32, #tpu.memory_space<vmem_shared>>)
        tpu.yield
      }) : () -> ()
      %barrier3A = arith.constant 0 : index
      tpu.barrier barrier_id(%barrier3A)
      %eq3A_91 = arith.constant 0 : i32
      %eq3A_92 = arith.cmpi eq, %arg1, %eq3A_91 : i32
      %convert_element_type3A_93 = arith.extui %eq3A_92 : i1 to i32
      %cond3A_94 = arith.constant 0 : i32
      %cond3A_95 = arith.cmpi ne, %convert_element_type3A_93, %cond3A_94 : i32
      scf.if %cond3A_95 {
        "tpu.region"() ({
          %run_scoped3A = tpu.sem_alloc : memref<!tpu.dma_semaphore, #tpu.memory_space<semaphore_mem>>
          tpu.enqueue_dma source(%arg12 : memref<256xf32, #tpu.memory_space<vmem_shared>>) target(%arg10 : memref<256xf32, #tpu.memory_space<vmem>>) target_semaphore(%run_scoped3A : memref<!tpu.dma_semaphore, #tpu.memory_space<semaphore_mem>>)
          tpu.wait_dma2 semaphore(%run_scoped3A : memref<!tpu.dma_semaphore, #tpu.memory_space<semaphore_mem>>) src(%arg12 : memref<256xf32, #tpu.memory_space<vmem_shared>>) dst(%arg10 : memref<256xf32, #tpu.memory_space<vmem>>)
          tpu.yield
        }) : () -> ()
        %broadcast_in_dim3A_96 = arith.constant 0.000000e+00 : f32
        %broadcast_in_dim3A_97 = vector.broadcast %broadcast_in_dim3A_96 : f32 to vector<16xf32>
        %get3A_98 = arith.constant 0 : index
        %get3A_99 = tpu.vector_load %arg10[%get3A_98] {strides = array<i32>} : memref<256xf32, #tpu.memory_space<vmem>>, vector<16xf32>,
        %add3A_100 = arith.addf %broadcast_in_dim3A_97, %get3A_99 : vector<16xf32>
        %get3A_101 = arith.constant 16 : index
        %get3A_102 = tpu.vector_load %arg10[%get3A_101] {strides = array<i32>} : memref<256xf32, #tpu.memory_space<vmem>>, vector<16xf32>,
        %add3A_103 = arith.addf %add3A_100, %get3A_102 : vector<16xf32>
        %get3A_104 = arith.constant 32 : index
        %get3A_105 = tpu.vector_load %arg10[%get3A_104] {strides = array<i32>} : memref<256xf32, #tpu.memory_space<vmem>>, vector<16xf32>,
        %add3A_106 = arith.addf %add3A_103, %get3A_105 : vector<16xf32>
        %get3A_107 = arith.constant 48 : index
        %get3A_108 = tpu.vector_load %arg10[%get3A_107] {strides = array<i32>} : memref<256xf32, #tpu.memory_space<vmem>>, vector<16xf32>,
        %add3A_109 = arith.addf %add3A_106, %get3A_108 : vector<16xf32>
        %get3A_110 = arith.constant 64 : index
        %get3A_111 = tpu.vector_load %arg10[%get3A_110] {strides = array<i32>} : memref<256xf32, #tpu.memory_space<vmem>>, vector<16xf32>,
        %add3A_112 = arith.addf %add3A_109, %get3A_111 : vector<16xf32>
        %get3A_113 = arith.constant 80 : index
        %get3A_114 = tpu.vector_load %arg10[%get3A_113] {strides = array<i32>} : memref<256xf32, #tpu.memory_space<vmem>>, vector<16xf32>,
        %add3A_115 = arith.addf %add3A_112, %get3A_114 : vector<16xf32>
        %get3A_116 = arith.constant 96 : index
        %get3A_117 = tpu.vector_load %arg10[%get3A_116] {strides = array<i32>} : memref<256xf32, #tpu.memory_space<vmem>>, vector<16xf32>,
        %add3A_118 = arith.addf %add3A_115, %get3A_117 : vector<16xf32>
        %get3A_119 = arith.constant 112 : index
        %get3A_120 = tpu.vector_load %arg10[%get3A_119] {strides = array<i32>} : memref<256xf32, #tpu.memory_space<vmem>>, vector<16xf32>,
        %add3A_121 = arith.addf %add3A_118, %get3A_120 : vector<16xf32>
        %get3A_122 = arith.constant 128 : index
        %get3A_123 = tpu.vector_load %arg10[%get3A_122] {strides = array<i32>} : memref<256xf32, #tpu.memory_space<vmem>>, vector<16xf32>,
        %add3A_124 = arith.addf %add3A_121, %get3A_123 : vector<16xf32>
        %get3A_125 = arith.constant 144 : index
        %get3A_126 = tpu.vector_load %arg10[%get3A_125] {strides = array<i32>} : memref<256xf32, #tpu.memory_space<vmem>>, vector<16xf32>,
        %add3A_127 = arith.addf %add3A_124, %get3A_126 : vector<16xf32>
        %get3A_128 = arith.constant 160 : index
        %get3A_129 = tpu.vector_load %arg10[%get3A_128] {strides = array<i32>} : memref<256xf32, #tpu.memory_space<vmem>>, vector<16xf32>,
        %add3A_130 = arith.addf %add3A_127, %get3A_129 : vector<16xf32>
        %get3A_131 = arith.constant 176 : index
        %get3A_132 = tpu.vector_load %arg10[%get3A_131] {strides = array<i32>} : memref<256xf32, #tpu.memory_space<vmem>>, vector<16xf32>,
        %add3A_133 = arith.addf %add3A_130, %get3A_132 : vector<16xf32>
        %get3A_134 = arith.constant 192 : index
        %get3A_135 = tpu.vector_load %arg10[%get3A_134] {strides = array<i32>} : memref<256xf32, #tpu.memory_space<vmem>>, vector<16xf32>,
        %add3A_136 = arith.addf %add3A_133, %get3A_135 : vector<16xf32>
        %get3A_137 = arith.constant 208 : index
        %get3A_138 = tpu.vector_load %arg10[%get3A_137] {strides = array<i32>} : memref<256xf32, #tpu.memory_space<vmem>>, vector<16xf32>,
        %add3A_139 = arith.addf %add3A_136, %get3A_138 : vector<16xf32>
        %get3A_140 = arith.constant 224 : index
        %get3A_141 = tpu.vector_load %arg10[%get3A_140] {strides = array<i32>} : memref<256xf32, #tpu.memory_space<vmem>>, vector<16xf32>,
        %add3A_142 = arith.addf %add3A_139, %get3A_141 : vector<16xf32>
        %get3A_143 = arith.constant 240 : index
        %get3A_144 = tpu.vector_load %arg10[%get3A_143] {strides = array<i32>} : memref<256xf32, #tpu.memory_space<vmem>>, vector<16xf32>,
        %add3A_145 = arith.addf %add3A_142, %get3A_144 : vector<16xf32>
        %reduce_sum3A = arith.constant true
        %reduce_sum3A_146 = vector.broadcast %reduce_sum3A : i1 to vector<16xi1>
        %reduce_sum3A_147 = tpu.scan <sum>, %add3A_145 masked %reduce_sum3A_146 : vector<16xf32>, vector<16xi1> -> vector<16xf32>
        %reduce_sum3A_148 = vector.extract %reduce_sum3A_147[15] : f32 from vector<16xf32>
        %mul3A_149 = arith.constant 5.000000e-03 : f32
        %mul3A_150 = arith.mulf %reduce_sum3A_148, %mul3A_149 : f32
        %broadcast_in_dim3A_151 = vector.broadcast %mul3A_150 : f32 to vector<16xf32>
        %swap3A_152 = arith.constant 0 : index
        %swap3A_153 = tpu.vector_load %arg11[%swap3A_152] {strides = array<i32>} : memref<16xf32, #tpu.memory_space<vmem>>, vector<16xf32>,
        tpu.vector_store %arg11[%swap3A_152], %broadcast_in_dim3A_151 {strides = array<i32>} : memref<16xf32, #tpu.memory_space<vmem>>, vector<16xf32>,
        "tpu.region"() ({
          %run_scoped3A = tpu.sem_alloc : memref<!tpu.dma_semaphore, #tpu.memory_space<semaphore_mem>>
          tpu.enqueue_dma source(%arg11 : memref<16xf32, #tpu.memory_space<vmem>>) target(%arg5 : memref<16xf32, #tpu.memory_space<hbm>>) target_semaphore(%run_scoped3A : memref<!tpu.dma_semaphore, #tpu.memory_space<semaphore_mem>>)
          tpu.wait_dma2 semaphore(%run_scoped3A : memref<!tpu.dma_semaphore, #tpu.memory_space<semaphore_mem>>) src(%arg11 : memref<16xf32, #tpu.memory_space<vmem>>) dst(%arg5 : memref<16xf32, #tpu.memory_space<hbm>>)
          tpu.yield
        }) : () -> ()
      } else {
      }
    } else {
    }
    return
  }
}

module attributes {stable_mosaic.version = 14 : i64} {
  func.func @body(%arg0: i32, %arg1: memref<1xi32, #tpu.memory_space<smem>>, %arg2: memref<64x100000xf32, #tpu.memory_space<any>>, %arg3: memref<64x4096xf32, #tpu.memory_space<vmem>>, %arg4: memref<4096xf32, #tpu.memory_space<vmem>>, %arg5: memref<64x1xf32, #tpu.memory_space<vmem>>, %arg6: memref<64x128xf32, #tpu.memory_space<vmem>>, %arg7: memref<!tpu.dma_semaphore, #tpu.memory_space<semaphore_mem>>) attributes {dimension_semantics = [#tpu.dimension_semantics<arbitrary>], iteration_bounds = array<i64: 25>, scalar_prefetch = 0 : i64, scratch_operands = 3 : i64, tpu.core_type = #tpu.core_type<tc>, window_params = [{transform_indices = @transform_0, window_bounds = array<i64: 1>}, {}, {transform_indices = @transform_2, window_bounds = array<i64: 64, 4096>}, {transform_indices = @transform_3, window_bounds = array<i64: 4096>}]} {
    %eq3A = arith.constant 0 : i32
    %eq3A_0 = arith.cmpi eq, %arg0, %eq3A : i32
    %convert_element_type3A = arith.extui %eq3A_0 : i1 to i32
    %cond3A = arith.constant 0 : i32
    %cond3A_1 = arith.cmpi ne, %convert_element_type3A, %cond3A : i32
    scf.if %cond3A_1 {
      %get3A_10 = arith.constant 0 : index
      %get3A_11 = memref.load %arg1[%get3A_10] : memref<1xi32, #tpu.memory_space<smem>>
      %jit3A = arith.constant 128 : i32
      %div3A = arith.divsi %get3A_11, %jit3A : i32
      %sign3A = arith.constant 0 : i32
      %sign3A_12 = arith.cmpi sgt, %get3A_11, %sign3A : i32
      %sign3A_13 = arith.extui %sign3A_12 : i1 to i32
      %sign3A_14 = arith.constant 0 : i32
      %sign3A_15 = arith.cmpi slt, %get3A_11, %sign3A_14 : i32
      %sign3A_16 = arith.extui %sign3A_15 : i1 to i32
      %sign3A_17 = arith.subi %sign3A_13, %sign3A_16 : i32
      %sign3A_18 = arith.constant 0 : i32
      %sign3A_19 = arith.cmpi sgt, %jit3A, %sign3A_18 : i32
      %sign3A_20 = arith.extui %sign3A_19 : i1 to i32
      %sign3A_21 = arith.constant 0 : i32
      %sign3A_22 = arith.cmpi slt, %jit3A, %sign3A_21 : i32
      %sign3A_23 = arith.extui %sign3A_22 : i1 to i32
      %sign3A_24 = arith.subi %sign3A_20, %sign3A_23 : i32
      %ne3A = arith.cmpi ne, %sign3A_17, %sign3A_24 : i32
      %rem3A = arith.remsi %get3A_11, %jit3A : i32
      %ne3A_25 = arith.constant 0 : i32
      %ne3A_26 = arith.cmpi ne, %rem3A, %ne3A_25 : i32
      %and3A = arith.andi %ne3A, %ne3A_26 : i1
      %sub3A = arith.constant 1 : i32
      %sub3A_27 = arith.subi %div3A, %sub3A : i32
      %select_n3A = arith.select %and3A, %sub3A_27, %div3A : i32
      %mul3A_28 = arith.constant 128 : i32
      %mul3A_29 = arith.muli %select_n3A, %mul3A_28 : i32
      %multiple_of3A = tpu.assume_multiple %mul3A_29, 128 : i32
      %dma_start3A = arith.constant 0 : i32
      %dma_start3A_30 = tpu.memref_slice %arg2[%dma_start3A, %multiple_of3A] : memref<64x100000xf32, #tpu.memory_space<any>> -> memref<64x128xf32, #tpu.memory_space<any>>
      tpu.enqueue_dma source(%dma_start3A_30 : memref<64x128xf32, #tpu.memory_space<any>>) target(%arg6 : memref<64x128xf32, #tpu.memory_space<vmem>>) target_semaphore(%arg7 : memref<!tpu.dma_semaphore, #tpu.memory_space<semaphore_mem>>)
      %dma_wait3A = arith.constant 0 : i32
      %dma_wait3A_31 = tpu.memref_slice %arg2[%dma_wait3A, %multiple_of3A] : memref<64x100000xf32, #tpu.memory_space<any>> -> memref<64x128xf32, #tpu.memory_space<any>>
      tpu.wait_dma2 semaphore(%arg7 : memref<!tpu.dma_semaphore, #tpu.memory_space<semaphore_mem>>) src(%dma_wait3A_31 : memref<64x128xf32, #tpu.memory_space<any>>) dst(%arg6 : memref<64x128xf32, #tpu.memory_space<vmem>>)
      %iota3A = tpu.iota {dimensions = array<i32: 1>} : vector<64x128xi32>
      %jit3A_32 = arith.constant 128 : i32
      %eq3A_33 = arith.constant 0 : i32
      %eq3A_34 = arith.cmpi eq, %jit3A_32, %eq3A_33 : i32
      %jit3A_35 = arith.constant 1 : i32
      %select_n3A_36 = arith.select %eq3A_34, %jit3A_35, %jit3A_32 : i32
      %rem3A_37 = arith.remsi %get3A_11, %select_n3A_36 : i32
      %ne3A_38 = arith.constant 0 : i32
      %ne3A_39 = arith.cmpi ne, %rem3A_37, %ne3A_38 : i32
      %lt3A = arith.constant 0 : i32
      %lt3A_40 = arith.cmpi slt, %rem3A_37, %lt3A : i32
      %lt3A_41 = arith.constant 0 : i32
      %lt3A_42 = arith.cmpi slt, %select_n3A_36, %lt3A_41 : i32
      %ne3A_43 = arith.xori %lt3A_40, %lt3A_42 : i1
      %and3A_44 = arith.andi %ne3A_43, %ne3A_39 : i1
      %add3A = arith.addi %rem3A_37, %select_n3A_36 : i32
      %select_n3A_45 = arith.select %and3A_44, %add3A, %rem3A_37 : i32
      %eq3A_46 = vector.broadcast %select_n3A_45 : i32 to vector<64x128xi32>
      %eq3A_47 = arith.cmpi eq, %iota3A, %eq3A_46 : vector<64x128xi32>
      %convert_element_type3A_48 = arith.extui %eq3A_47 : vector<64x128xi1> to vector<64x128xi32>
      %convert_element_type3A_49 = arith.sitofp %convert_element_type3A_48 : vector<64x128xi32> to vector<64x128xf32>
      %get3A_50 = arith.constant 0 : index
      %get3A_51 = arith.constant 0 : index
      %get3A_52 = vector.load %arg6[%get3A_50, %get3A_51] : memref<64x128xf32, #tpu.memory_space<vmem>>, vector<64x128xf32>
      %mul3A_53 = arith.mulf %get3A_52, %convert_element_type3A_49 : vector<64x128xf32>
      %reduce_sum3A_54 = arith.constant dense<0.000000e+00> : vector<64xf32>
      %reduce_sum3A_55 = vector.multi_reduction <add>, %mul3A_53, %reduce_sum3A_54 [1] : vector<64x128xf32> to vector<64xf32>
      %broadcast_in_dim3A = vector.shape_cast %reduce_sum3A_55 : vector<64xf32> to vector<64x1xf32>
      %swap3A_56 = arith.constant 0 : index
      %swap3A_57 = arith.constant 0 : index
      %swap3A_58 = vector.load %arg5[%swap3A_56, %swap3A_57] : memref<64x1xf32, #tpu.memory_space<vmem>>, vector<64x1xf32>
      tpu.vector_store %arg5[%swap3A_56, %swap3A_57], %broadcast_in_dim3A {strides = array<i32>} : memref<64x1xf32, #tpu.memory_space<vmem>>, vector<64x1xf32>,
    } else {
    }
    %get3A = arith.constant 0 : index
    %get3A_2 = arith.constant 0 : index
    %get3A_3 = vector.load %arg5[%get3A, %get3A_2] : memref<64x1xf32, #tpu.memory_space<vmem>>, vector<64x1xf32>
    %get3A_4 = arith.constant 0 : index
    %get3A_5 = arith.constant 0 : index
    %get3A_6 = vector.load %arg3[%get3A_4, %get3A_5] : memref<64x4096xf32, #tpu.memory_space<vmem>>, vector<64x4096xf32>
    %mul3A = vector.broadcast %get3A_3 : vector<64x1xf32> to vector<64x4096xf32>
    %mul3A_7 = arith.mulf %get3A_6, %mul3A : vector<64x4096xf32>
    %reduce_sum3A = arith.constant dense<0.000000e+00> : vector<4096xf32>
    %reduce_sum3A_8 = vector.multi_reduction <add>, %mul3A_7, %reduce_sum3A [0] : vector<64x4096xf32> to vector<4096xf32>
    %swap3A = arith.constant 0 : index
    %swap3A_9 = vector.load %arg4[%swap3A] : memref<4096xf32, #tpu.memory_space<vmem>>, vector<4096xf32>
    tpu.vector_store %arg4[%swap3A], %reduce_sum3A_8 {strides = array<i32>} : memref<4096xf32, #tpu.memory_space<vmem>>, vector<4096xf32>,
    return
  }
  func.func @transform_0(%arg0: i32) -> i32 {
    %c0_i32 = arith.constant 0 : i32
    %c0_i32_0 = arith.constant 0 : i32
    return %c0_i32 : i32
  }
  func.func @transform_2(%arg0: i32) -> (i32, i32) {
    %c0_i32 = arith.constant 0 : i32
    %c0_i32_0 = arith.constant 0 : i32
    return %c0_i32, %arg0 : i32, i32
  }
  func.func @transform_3(%arg0: i32) -> i32 {
    %c0_i32 = arith.constant 0 : i32
    return %arg0 : i32
  }
}

</mosaic_0001>

<sc_bundles>
// kernel: kernel.4.cloned.1.call-start
scs
__scs_entry_jumppad:
0x0: {  	(pc) =	sbr.rel $0x88, $3  }
0x1: {  	(tag) =	ssettag $0x0;
	lr =	simm.s32 $0x1  }
0x2: {  	[smem:$0x3F9D] =	sst lr;
	_ =	strace $0xD0000000  }
0x3: {  	_ = 	snop  }
0x4: {  	_ = 	snop  }
0x5: {  	_ = 	snop  }
0x6: {  	_ = 	snop  }
0x7: {  	_ = 	snop  }
__scs_overlays_trampoline_lowered:
0x8: {  	[smem:$0x3FAC] =	sst s0  }
0x9: {  	[smem:$0x3FAD] =	sst s1  }
0xa: {  	[smem:$0x3FAE] =	sst s2  }
0xb: {  	[smem:$0x3FAF] =	sst s3  }
0xc: {  	[smem:$0x3FB0] =	sst s4  }
0xd: {  	[smem:$0x3FB1] =	sst s5  }
0xe: {  	[smem:$0x3FB2] =	sst s6  }
0xf: {  	[smem:$0x3FB3] =	sst s7  }
0x10: {  	[smem:$0x3FB4] =	sst s8  }
0x11: {  	[smem:$0x3FB5] =	sst s9;
	s0 =	simm.s32 @!p0 $0x0  }
0x12: {  	s1 =	sld [smem:$0x3F9B];
	s0 =	simm.s32 @p0 $0x1  }
0x13: {  	[smem:$0x3FB6] =	sst s0;
	s0 =	simm.s32 @!p1 $0x0  }
0x14: {  	s2 =	sld [smem:$0x3F9A];
	s0 =	simm.s32 @p1 $0x1  }
0x15: {  	[smem:$0x3FB7] =	sst s0;
	s0 =	simm.s32 @!p2 $0x0  }
0x16: {  	s3 =	sld [smem:$0x3FDB];
	s0 =	simm.s32 @p2 $0x1  }
0x17: {  	s4 =	simm.s32 $0x1BF5;
	[smem:$0x3FB9] =	sst s0  }
0x18: {  	s0 =	sld [smem:$0x3F9C];
	_ =	swait.ge [sflag:s4], $0x0  }
0x19: {  	s7 =	sld [smem:$0x3F9D]  }
0x1a: {  	s8 =	sadd.s32 $0xFFFFE003, lr  }
0x1b: {  	s9 =	sadd.s32 $0xFFFFFEF7, lr;
	s5 =	simm.s32 $0xFFFFFFFF;
	p2 =	slt.u32 s8, $0xFFFFF086  }
0x1c: {  	p1 =	slt.u32 s9, $0xF7A;
	s5 =	simm.s32 @!p2 $0x0  }
0x1d: {  	s5 =	simm.s32 @p1 $0x1;
	p0 =	seq.s32 s7, s2  }
0x1e: {  	s7 =	smul.u32 @!p0 $0xF7A, s2;
	p2 =	seq.s32 @!p0 s5, $0x0  }
0x1f: {  	s9 =	smul.u32 $0xF7A, s1;
	s8 =	simm.s32 @!p0 $0x1BF5;
	p2 =	por !p2, p0  }
0x20: {  	[sflag:s8] =	ssyncset.s32 @!p0 $0xFFFFF086;
	s6 =	sadd.s32 @!p0 s3, s7;
	s7 =	simm.s32 @!p0 $0x108  }
0x21: {  	s3 =	sadd.s32 s3, s9;
	s6 =	sadd.s32 @!p0 $0x88, s6;
	s7 =	simm.s32 @p2 $0x1082  }
0x22: {  	[simem:s7], [sflag:s8] =	dma.local @!p0 [hbm:s6], $0xF7A  }
0x23: {  	s9 =	sor.u32 $0xD0000000, s2;
	s6 =	simm.s32 $0x108;
	_ =	swait.ge @!p0 [sflag:s8], $0x0  }
0x24: {  	s3 =	sadd.s32 $0x88, s3;
	s6 =	simm.s32 @!p1 $0x1082;
	[sflag:s4] =	ssyncset.s32 $0xFFFFF086  }
0x25: {  	[simem:s6], [sflag:s4] =	dma.local [hbm:s3], $0xF7A  }
0x26: {  	[smem:$0x3F9D] =	sst s1;
	(tag) =	ssettag s2;
	_ =	strace s9  }
0x27: {  	s1 =	sld [smem:$0x3FAD]  }
0x28: {  	s2 =	sld [smem:$0x3FAE]  }
0x29: {  	s4 =	sld [smem:$0x3FB0]  }
0x2a: {  	p0 =	seq.s32 s5, $0x0;
	s5 =	sld [smem:$0x3FB1]  }
0x2b: {  	s6 =	sld [smem:$0x3FB2]  }
0x2c: {  	s7 =	sld [smem:$0x3FB3]  }
0x2d: {  	s3 =	simm.s32 $0x108;
	s8 =	sld [smem:$0x3FB4]  }
0x2e: {  	s3 =	simm.s32 @!p0 $0x1082;
	s9 =	sld [smem:$0x3FB5]  }
0x2f: {  	lr =	sadd.s32 s0, s3;
	s0 =	sld [smem:$0x3FAC]  }
0x30: {  	s3 =	sld [smem:$0x3FAF]  }
0x31: {  	[smem:$0x3FB8] =	sst s10  }
0x32: {  	s10 =	sld [smem:$0x3FB6];
	_ =	sdelay $0x3  }
0x33: {  	p0 =	seq.s32 s10, $0x1;
	s10 =	sld [smem:$0x3FB8];
	_ =	sdelay $0x3  }
0x34: {  	[smem:$0x3FB8] =	sst s10  }
0x35: {  	s10 =	sld [smem:$0x3FB7];
	_ =	sdelay $0x3  }
0x36: {  	p1 =	seq.s32 s10, $0x1;
	s10 =	sld [smem:$0x3FB8];
	_ =	sdelay $0x3  }
0x37: {  	[smem:$0x3FB8] =	sst s10  }
0x38: {  	s10 =	sld [smem:$0x3FB9]  }
0x39: {  	_ = 	snop;
	(pc) =	sbr.ind lr, $3  }
0x3a: {  	_ = 	snop  }
0x3b: {  	_ = 	snop  }
0x3c: {  	p2 =	seq.s32 s10, $0x1;
	s10 =	sld [smem:$0x3FB8]  }
0x3d: {  	_ =	shalt  }
0x3e: {  	_ =	shalt  }
0x3f: {  	_ =	shalt  }
0x40: {  	_ =	shalt  }
0x41: {  	_ =	shalt  }
0x42: {  	_ =	shalt  }
0x43: {  	_ =	shalt  }
0x44: {  	_ =	shalt  }
0x45: {  	_ =	shalt  }
0x46: {  	_ =	shalt  }
0x47: {  	_ =	shalt  }
0x48: {  	_ =	shalt  }
0x49: {  	_ =	shalt  }
0x4a: {  	_ =	shalt  }
0x4b: {  	_ =	shalt  }
0x4c: {  	_ =	shalt  }
0x4d: {  	_ =	shalt  }
0x4e: {  	_ =	shalt  }
0x4f: {  	_ =	shalt  }
0x50: {  	_ =	shalt  }
0x51: {  	_ =	shalt  }
0x52: {  	_ =	shalt  }
0x53: {  	_ =	shalt  }
0x54: {  	_ =	shalt  }
0x55: {  	_ =	shalt  }
0x56: {  	_ =	shalt  }
0x57: {  	_ =	shalt  }
0x58: {  	_ =	shalt  }
0x59: {  	_ =	shalt  }
0x5a: {  	_ =	shalt  }
0x5b: {  	_ =	shalt  }
0x5c: {  	_ =	shalt  }
0x5d: {  	_ =	shalt  }
0x5e: {  	_ =	shalt  }
0x5f: {  	_ =	shalt  }
0x60: {  	_ =	shalt  }
0x61: {  	_ =	shalt  }
0x62: {  	_ =	shalt  }
0x63: {  	_ =	shalt  }
0x64: {  	_ =	shalt  }
0x65: {  	_ =	shalt  }
0x66: {  	_ =	shalt  }
0x67: {  	_ =	shalt  }
0x68: {  	_ =	shalt  }
0x69: {  	_ =	shalt  }
0x6a: {  	_ =	shalt  }
0x6b: {  	_ =	shalt  }
0x6c: {  	_ =	shalt  }
0x6d: {  	_ =	shalt  }
0x6e: {  	_ =	shalt  }
0x6f: {  	_ =	shalt  }
0x70: {  	_ =	shalt  }
0x71: {  	_ =	shalt  }
0x72: {  	_ =	shalt  }
0x73: {  	_ =	shalt  }
0x74: {  	_ =	shalt  }
0x75: {  	_ =	shalt  }
0x76: {  	_ =	shalt  }
0x77: {  	_ =	shalt  }
0x78: {  	_ =	shalt  }
0x79: {  	_ =	shalt  }
0x7a: {  	_ =	shalt  }
0x7b: {  	_ =	shalt  }
0x7c: {  	_ =	shalt  }
0x7d: {  	_ =	shalt  }
0x7e: {  	_ =	shalt  }
0x7f: {  	_ =	shalt  }
0x80: {  	_ =	shalt  }
0x81: {  	_ =	shalt  }
0x82: {  	_ =	shalt  }
0x83: {  	_ =	shalt  }
0x84: {  	_ =	shalt  }
0x85: {  	_ =	shalt  }
0x86: {  	_ =	shalt  }
0x87: {  	_ =	shalt  }
.Lfunc_end0:
.L_simem_size_0:
called_computation_lowered:
.L_overlay_start_0:
0x88: {  	s2 =	sld [smem:$0x3FD9]  }
0x89: {  	s3 =	sld [smem:$0x3FFE];
	_ =	sdelay $0x1  }
0x8a: {  	s1 =	srdreg.scid  }
0x8b: {  	s0 =	sand.u32 $0x1, s1  }
0x8c: {  	s14 =	sshll.u32 s0, $0xA;
	s2 =	sadd.s32 s3, s2  }
0x8d: {  	s2 =	sadd.s32 s2, s14  }
0x8e: {  	[smem:$0x3FC4] =	sst s2  }
0x8f: {  	_ = 	snop  }
0x90: {  	s2 =	sld [smem:$0x3FD0];
	_ =	sdelay $0x1  }
0x91: {  	s15 =	sld [smem:$0x3FC7]  }
0x92: {  	s5 =	simm.s32 $0xA;
	s6 =	simm.s32 $0x10;
	s4 =	sld [smem:$0x3FC6]  }
0x93: {  	[smem:s6], [sflag:s5] =	dma.local [hbm:s2], $0x1  }
0x94: {  	_ =	swait.eq [sflag:s5], $0x1  }
0x95: {  	[sflag:s5] =	ssyncset.done $0x0  }
0x96: {  	[sflag:s5] =	ssyncadd.s32 $0xFFFFFFFF  }
0x97: {  	s16 =	sld [smem:$0x11];
	(tm) =	ssettm $0x1  }
0x98: {  	s17 =	sld [smem:$0x3FFB];
	_ =	sdelay $0x3  }
0x99: {  	_ =	strace s17  }
0x9a: {  	s5 =	sld [smem:$0x3FFC];
	_ =	sdelay $0x3  }
0x9b: {  	_ =	strace s5  }
0x9c: {  	s5 =	sld [smem:$0x3FFD];
	_ =	sdelay $0x3  }
0x9d: {  	_ =	strace s5  }
0x9e: {  	_ =	strace $0x8FFFFFFF  }
0x9f: {  	s18 =	sld [smem:$0x3FDB];
	_ =	sdelay $0x1  }
0xa0: {  	s19 =	simm.s32 $_scs_section_size  }
0xa1: {  	s7 =	simm.s32 $_size__tile_overlayer_lowered;
	s8 =	simm.s32 $_tile_overlayer_lowered  }
0xa2: {  	s22 =	simm.s32 $0x1BFF;
	s21 =	sshll.u32 s8, $0x1;
	s5 =	sadd.s32 s19, s18  }
0xa3: {  	s9 =	simm.s32 $0x0;
	s20 =	sshll.u32 s7, $0x1;
	s7 =	sadd.s32 s21, s5  }
0xa4: {  	[timem:s9], [sflag:s22] =	dma.local [hbm:s7], s20  }
0xa5: {  	_ =	swait.ge [sflag:s22], s20  }
0xa6: {  	s6 =	ssub.s32 $0x0, s20;
	[sflag:s22] =	ssyncset.done $0x0  }
0xa7: {  	[sflag:s22] =	ssyncadd.s32 s6;
	_ =	sdelay $0x1  }
0xa8: {  	s23 =	simm.s32 $0x1B8B  }
0xa9: {  	_ =	swait.ge [sflag:s23], $0x1  }
0xaa: {  	[sflag:s23] =	ssyncset.done $0x0  }
0xab: {  	s25 =	simm.s32 $0x1B8E;
	s24 =	sld [smem:$0x3FFE];
	[sflag:s23] =	ssyncadd.s32 $0xFFFFFFFF  }
0xac: {  	s26 =	simm.s32 $execute0_lowered;
	[smem:$0x3FD2] =	sst s25  }
0xad: {  	s7 =	sshll.u32 s26, $0x1;
	_ =	strace $0x80000046;
	[dreg:$0x1] =	wrdreg $0xFFFFFFFF  }
0xae: {  	s28 =	simm.s32 $_size_execute0_lowered;
	s5 =	sadd.s32 s5, s7;
	[dreg:$0x0] =	wrdreg $0x0  }
0xaf: {  	s7 =	sshll.u32 s28, $0x1;
	[dreg:$0x2] =	wrdreg s5  }
0xb0: {  	[dreg:$0x3] =	wrdreg s7  }
0xb1: {  	[dreg:$0x4] =	wrdreg $0xC0  }
0xb2: {  	_ =	task [dreg:s9], $0x5FFFF  }
0xb3: {  	[dreg:$0x1] =	wrdreg $0xFFFFFFFF  }
0xb4: {  	[dreg:$0x0] =	wrdreg $0x60  }
0xb5: {  	[dreg:$0x2] =	wrdreg s24  }
0xb6: {  	[dreg:$0x3] =	wrdreg s15  }
0xb7: {  	[dreg:$0x4] =	wrdreg s4  }
0xb8: {  	[dreg:$0x5] =	wrdreg s16  }
0xb9: {  	[dreg:$0x6] =	wrdreg $0x1500  }
0xba: {  	[dreg:$0x7] =	wrdreg $0x9  }
0xbb: {  	_ =	task.clear_ibuf [dreg:s9], $0x8FFFF;
	_ =	strace $0x90000046  }
0xbc: {  	s29 =	simm.s32 $0x9;
	_ =	strace $0x80000048  }
0xbd: {  	_ =	swait.ge [sflag:s29], $0x1  }
0xbe: {  	[sflag:s29] =	ssyncadd.s32 $0xFFFFFFFF  }
0xbf: {  	_ =	strace $0x90000048  }
0xc0: {  	_ =	sfence  }
0xc1: {  	s30 =	sld [smem:$0x0];
	_ =	sdelay $0x2  }
0xc2: {  	s31 =	sshll.u32 s1, $0xD;
	s1 =	sshrl.u32 s1, $0x2  }
0xc3: {  	s3 =	sand.u32 $0x4000, s31;
	s1 =	sadd.s32 s1, s30  }
0xc4: {  	s0 =	sor.u32 s3, s0;
	s1 =	sshll.u32 s1, $0x11  }
0xc5: {  	s0 =	sor.u32 s1, s0  }
0xc6: {  	s0 =	sadd.s32 $0x8F2B, s0  }
0xc7: {  	[sflag:s0] =	ssyncadd.remote.s32 $0x1  }
0xc8: {  	_ =	sfence.sel $0xFFFF  }
0xc9: {  	[dreg:$0x0] =	wrdreg $0xFFFFFFFF;
	(pc) =	sbr.abs _section_cstart, $3  }
0xca: {  	[dreg:$0x1] =	wrdreg $0xFFFFFFFF  }
0xcb: {  	_ =	task.clear_ibuf [dreg:s9], $0x2FFFF;
	_ =	strace $0x9FFFFFFF  }
0xcc: {  	(tm) =	ssettm $0x7FFFFFFF  }
0xcd: {  	_ =	shalt  }
tec
execute0_lowered:
.L_overlay_start_1:
0x0: {  	(tag) =	ssettag $0x1  }
0x1: {  	s4 =	srdreg.scid  }
0x2: {  	s5 =	rddreg [dreg:$0x0];
	s8 =	sand.u32 $0x1, s4  }
0x3: {  	s6 =	rddreg [dreg:$0x1];
	p1 =	seq.s32 s8, $0x1  }
.Ltmp0:
0x4: {  	s3 =	rddreg [dreg:$0x2];
	(pc) =	sbr.rel @p1 .LBB2_2-.Ltmp0, $4  }
0x5: {  	s1 =	rddreg [dreg:$0x3]  }
0x6: {  	s2 =	rddreg [dreg:$0x4];
	s7 =	simm.s32 $0x0  }
0x7: {  	[smem:$0x7FF] =	sst s7;
	s4 =	stileid.u32  }
0x8: {  	s0 =	rddreg [dreg:$0x5];
	_ =	strace $0x80000047;
	p0 =	sne.s32 s4, $0x0  }
0x9: {  	s4 =	sshll.u32 s4, $0x4  }
0xa: {  	s8 =	smin.u32 s4, $0xB8  }
0xb: {  	s9 =	sshrl.u32 s8, $0x3  }
0xc: {  	s26 =	simm.s32 $0x2;
	s3 =	sadd.s32 s3, s9  }
0xd: {  	[tilespmem:s7], [sflag:$0x2] =	stream.linear.gather [hbm4b:s3+s7], $0x10, $0x38;
	[tilespmem:$0x160] =	vst v63  }
0xe: {  	_ =	swait.ge [sflag:s26], $0x10  }
0xf: {  	[sflag:s26] =	ssyncset.done $0x0  }
0x10: {  	s28 =	simm.s32 $0x10;
	s29 =	simm.s32 $0x1;
	[sflag:s26] =	ssyncadd.s32 $0xFFFFFFF0  }
0x11: {  	[tilespmem:s28], [sflag:$0x1] =	stream.indirect.gather [hbm4b:s6+s28], $0x1, s7, s28, $0xb8;
	[tilespmem:$0x160] =	vst v63  }
0x12: {  	_ =	swait.ge [sflag:s29], $0x10  }
0x13: {  	[sflag:s29] =	ssyncset.done $0x0  }
0x14: {  	s5 =	sadd.s32 $0x800, s5;
	s30 =	simm.s32 $0x20;
	[sflag:s29] =	ssyncadd.s32 $0xFFFFFFF0  }
0x15: {  	[tilespmem:s30], [sflag:$0x1] =	stream.indirect.gather [hbm4b:s5+s28], $0x1, s28, s28, $0xb8;
	[tilespmem:$0x160] =	vst v63  }
0x16: {  	_ =	swait.ge [sflag:s29], $0x10  }
0x17: {  	[sflag:s29] =	ssyncset.done $0x0  }
0x18: {  	[sflag:s29] =	ssyncadd.s32 $0xFFFFFFF0  }
0x19: {  	v0 =	vld [tilespmem:$0x20];
	_ =	sdelay $0x4  }
0x1a: {  	v0 =	vsub.f32 $0.0e+00, v0;
	_ =	sdelay $0x1  }
0x1b: {  	v0 =	vmul.f32 $1.442695020e+00, v0;
	_ =	sdelay $0x1  }
0x1c: {  	(erf) = vpow2.f32 v0;
	_ =	sdelay $0x8  }
0x1d: {  	v0 =	vpop (erf)  }
0x1e: {  	v0 =	vadd.f32 $1.000000000e+00, v0;
	_ =	sdelay $0x1  }
0x1f: {  	(erf) = vrcp.f32 v0;
	_ =	sdelay $0x8  }
0x20: {  	v0 =	vpop (erf)  }
0x21: {  	v0 =	vsub.f32 $1.000000000e+00, v0;
	_ =	sdelay $0x1  }
0x22: {  	v0 =	vadd.f32 $1.000000000e-15, v0;
	_ =	sdelay $0x1  }
0x23: {  	v1 =	vand.u32 $0x7FFFFF, v0  }
0x24: {  	v1 =	vor.u32 $0x3F800000, v1  }
0x25: {  	v2 =	vmul.f32 $5.000000000e-01, v1  }
0x26: {  	vm0 =	vgt.f32 v1, $1.414213540e+00  }
0x27: {  	v1 =	vsel vm0, v2, v1  }
0x28: {  	v2 =	vadd.f32 $1.000000000e+00, v1;
	_ =	sdelay $0x1  }
0x29: {  	(erf) = vrcp.f32 v2;
	_ =	sdelay $0x7  }
0x2a: {  	v1 =	vadd.f32 $-1.000000000e+00, v1  }
0x2b: {  	v2 =	vpop (erf)  }
0x2c: {  	v1 =	vmul.f32 v2, v1;
	_ =	sdelay $0x1  }
0x2d: {  	v2 =	vmul.f32 v1, v1;
	_ =	sdelay $0x1  }
0x2e: {  	v3 =	vmul.f32 $1.111111120e-01, v2;
	_ =	sdelay $0x1  }
0x2f: {  	v3 =	vadd.f32 $1.428571490e-01, v3;
	_ =	sdelay $0x1  }
0x30: {  	v3 =	vmul.f32 v3, v2;
	_ =	sdelay $0x1  }
0x31: {  	v3 =	vadd.f32 $2.000000030e-01, v3;
	_ =	sdelay $0x1  }
0x32: {  	v3 =	vmul.f32 v3, v2;
	_ =	sdelay $0x1  }
0x33: {  	v3 =	vadd.f32 $3.333333430e-01, v3  }
0x34: {  	v4 =	vimm.s32 $0xFFFFFF81  }
0x35: {  	v0 =	vshra.s32 v0, $0x17;
	v61 =	vsel vm0, $0xFFFFFF82, v4;
	v2 =	vmul.f32 v3, v2  }
0x36: {  	v0 =	vadd.s32 v0, v61  }
0x37: {  	v0 =	vcvt.s32.f32 v0;
	v1 =	vadd.f32 v1, v1;
	v2 =	vadd.f32 $1.000000000e+00, v2;
	_ =	sdelay $0x1  }
0x38: {  	v0 =	vmul.f32 $6.931471820e-01, v0;
	v1 =	vmul.f32 v2, v1;
	_ =	sdelay $0x1  }
0x39: {  	v62 =	vlaneseq.u32;
	v0 =	vadd.f32 v1, v0  }
0x3a: {  	v63 =	vadd.s32 s8, v62  }
0x3b: {  	vm15 =	vge.u32 v63, s4;
	vm1 =	vlt.u32 v63, $0xC8;
	v0 =	vsub.f32 $0.0e+00, v0  }
0x3c: {  	vm0 =	vmand vm15, vm1  }
0x3d: {  	v0 =	vnsel vm0, $0x0, v0  }
0x3e: {  	s31 =	simm.s32 $0x30;
	s4 =	sadd.s32 s4, s2;
	[tilespmem:$0x30] =	vst v0  }
0x3f: {  	[spmem:s4] =	stream.linear.scatter [tilespmem:s31], [sflag:$0x2], $0x10, $0x38;
	[tilespmem:$0x160] =	vst v63  }
0x40: {  	_ =	swait.ge [sflag:s26], $0x10  }
0x41: {  	[sflag:s26] =	ssyncset.done $0x0  }
0x42: {  	[sflag:s26] =	ssyncadd.s32 $0xFFFFFFF0  }
0x43: {  	s3 =	simm.s32 @!p0 $0x40;
	[bflag:$0x0] =	sbarrier.arrive $0xFFFF  }
0x44: {  	[tilespmem:s3], [sflag:$0x2] =	stream.linear.gather @!p0 [spmem:s2], $0x100, $0x38;
	[tilespmem:$0x160] =	vst v63  }
0x45: {  	s2 =	simm.s32 @!p0 $0x2  }
0x46: {  	_ =	swait.ge @!p0 [sflag:s2], $0x100  }
0x47: {  	[sflag:s2] =	ssyncset.done @!p0 $0x0  }
0x48: {  	[sflag:s2] =	ssyncadd.s32 @!p0 $0xFFFFFF00  }
0x49: {  	v0 =	vld @!p0 [tilespmem:$0x40];
	_ =	sdelay $0x1  }
0x4a: {  	v1 =	vld @!p0 [tilespmem:$0x50];
	_ =	sdelay $0x1  }
0x4b: {  	v2 =	vld @!p0 [tilespmem:$0x60]  }
0x4c: {  	v0 =	vadd.f32 @!p0 $0.0e+00, v0  }
0x4d: {  	v3 =	vld @!p0 [tilespmem:$0x70]  }
0x4e: {  	v0 =	vadd.f32 @!p0 v1, v0  }
0x4f: {  	v1 =	vld @!p0 [tilespmem:$0x80]  }
0x50: {  	v0 =	vadd.f32 @!p0 v2, v0  }
0x51: {  	v2 =	vld @!p0 [tilespmem:$0x90]  }
0x52: {  	v0 =	vadd.f32 @!p0 v3, v0  }
0x53: {  	v3 =	vld @!p0 [tilespmem:$0xA0]  }
0x54: {  	v0 =	vadd.f32 @!p0 v1, v0  }
0x55: {  	v1 =	vld @!p0 [tilespmem:$0xB0]  }
0x56: {  	v0 =	vadd.f32 @!p0 v2, v0  }
0x57: {  	v2 =	vld @!p0 [tilespmem:$0xC0]  }
0x58: {  	v0 =	vadd.f32 @!p0 v3, v0  }
0x59: {  	v3 =	vld @!p0 [tilespmem:$0xD0]  }
0x5a: {  	v0 =	vadd.f32 @!p0 v1, v0  }
0x5b: {  	v1 =	vld @!p0 [tilespmem:$0xE0]  }
0x5c: {  	v0 =	vadd.f32 @!p0 v2, v0  }
0x5d: {  	v2 =	vld @!p0 [tilespmem:$0xF0]  }
0x5e: {  	v0 =	vadd.f32 @!p0 v3, v0  }
0x5f: {  	v3 =	vld @!p0 [tilespmem:$0x100]  }
0x60: {  	v0 =	vadd.f32 @!p0 v1, v0  }
0x61: {  	v1 =	vld @!p0 [tilespmem:$0x110]  }
0x62: {  	v0 =	vadd.f32 @!p0 v2, v0  }
0x63: {  	v2 =	vld @!p0 [tilespmem:$0x120]  }
0x64: {  	v0 =	vadd.f32 @!p0 v3, v0  }
0x65: {  	v3 =	vld @!p0 [tilespmem:$0x130]  }
0x66: {  	v0 =	vadd.f32 @!p0 v1, v0;
	_ =	sdelay $0x1  }
0x67: {  	v0 =	vadd.f32 @!p0 v2, v0;
	_ =	sdelay $0x1  }
0x68: {  	v0 =	vadd.f32 @!p0 v3, v0;
	_ =	sdelay $0x1  }
0x69: {  	(xrf2) =	vadd.scan.msk.f32 @!p0 $0xffff, v0;
	_ =	sdelay $0x9  }
0x6a: {  	v0, _, _ =	vpop @!p0 (xrf2)  }
0x6b: {  	(v2sf) =	vpush @!p0 v0, $0xF;
	_ =	sdelay $0xe  }
0x6c: {  	s3 =	spop @!p0 (v2sf)  }
0x6d: {  	s3 =	smul.f32 @!p0 $4.999999890e-03, s3;
	_ =	sdelay $0x1  }
0x6e: {  	v0 =	vmov @!p0 s3  }
0x6f: {  	s4 =	simm.s32 @!p0 $0x140;
	s3 =	simm.s32 @!p0 $0x0;
	[tilespmem:$0x140] =	vst @!p0 v0  }
0x70: {  	[hbm4b:s1+s3] =	stream.linear.scatter @!p0 [tilespmem:s4], [sflag:$0x2], $0x10, $0x38;
	[tilespmem:$0x160] =	vst v63  }
0x71: {  	_ =	swait.ge @!p0 [sflag:s2], $0x10  }
0x72: {  	[sflag:s2] =	ssyncset.done @!p0 $0x0  }
0x73: {  	[sflag:s2] =	ssyncadd.s32 @!p0 $0xFFFFFFF0  }
.LBB2_2:
0x74: {  	_ =	sfence.sel $0x180000  }
0x75: {  	[bflag:$0x0] =	sbarrier.arrive $0xFFFF  }
0x76: {  	_ =	strace $0x90000047  }
0x77: {  	s0 =	sadd.s32 @!p0 $0x100000, s0;
	[bflag:$0x2] =	sbarrier.arrive $0xFFFF  }
0x78: {  	[sflag:s0] =	ssyncadd.tile.s32 @!p0 $0x1;
	_ =	shalt  }
.Lfunc_end2:
_tile_overlayer_lowered:
.L_overlay_start_2:
0x79: {  	(tag) =	ssettag $0x2  }
0x7a: {  	s0 =	rddreg [dreg:$0x0];
	s2 =	stileid.u32  }
0x7b: {  	s1 =	rddreg [dreg:$0x1];
	p0 =	sne.s32 s2, $0x0  }
0x7c: {  	s3 =	rddreg [dreg:$0x2];
	[bflag:$0x3] =	sbarrier.arrive $0xFFFF;
	s2 =	simm.s32 @!p0 $0x1C02  }
0x7d: {  	[timem:s3], [sflag:s2] =	dma.local @!p0 [hbm:s0], s1  }
0x7e: {  	s0 =	simm.s32 @!p0 $0x2  }
0x7f: {  	_ =	swait.ge @!p0 [sflag:s0], s1  }
0x80: {  	s1 =	ssub.s32 @!p0 $0x0, s1;
	[sflag:s0] =	ssyncset.done @!p0 $0x0  }
0x81: {  	[sflag:s0] =	ssyncadd.s32 @!p0 s1  }
0x82: {  	[bflag:$0x3] =	sbarrier.arrive $0xFFFF  }
0x83: {  	_ =	shalt  }

</sc_bundles>
